<compile_context>
chip_gen: v7x
topology: tpu7x:2x2x1
jax: 0.10.2.dev20260603
libtpu: 0.0.44.dev20260713+nightly
codegen_flags: <defaults>
</compile_context>

<pallas_src>
import functools

import jax
import jax.numpy as jnp
from jax import lax
from jax.experimental import pallas as pl
from jax.experimental.pallas import tpu as pltpu
from jax.experimental.pallas import tpu_sc as plsc

B = 128
S = 32768
BLK = 4096
W = S // 4
NWORKERS = 32
ROWS_PER_W = B // NWORKERS


def _tc_body(idx_ref, logits_ref, mask_ref, out_l_ref):
    j = pl.program_id(0)
    cols = jax.lax.broadcasted_iota(jnp.int32, (B, BLK), 1) + j * BLK
    hot = cols == idx_ref[...]
    m = mask_ref[...] | hot
    out_l_ref[...] = jnp.where(m, -jnp.inf, logits_ref[...])


def _tc_logits(idxs2, logits, mask):
    return pl.pallas_call(
        _tc_body,
        grid=(S // BLK,),
        in_specs=[
            pl.BlockSpec((B, 1), lambda j: (0, 0)),
            pl.BlockSpec((B, BLK), lambda j: (0, j)),
            pl.BlockSpec((B, BLK), lambda j: (0, j)),
        ],
        out_specs=pl.BlockSpec((B, BLK), lambda j: (0, j)),
        out_shape=jax.ShapeDtypeStruct((B, S), jnp.float32),
    )(idxs2, logits, mask)


def _sc_mask_body(idxs_hbm, maskw_hbm, out_hbm, idxv, bigbuf):
    c = lax.axis_index("c")
    s = lax.axis_index("s")
    w = s * 2 + c
    base_row = w * ROWS_PER_W
    chunk = (base_row // 16) * 16
    pltpu.sync_copy(idxs_hbm.at[pl.ds(chunk, 16)], idxv)
    pltpu.sync_copy(
        maskw_hbm.at[pl.ds(base_row * W, ROWS_PER_W * W)], bigbuf
    )
    li = jax.lax.broadcasted_iota(jnp.int32, (16,), 0)
    lanemask = li < ROWS_PER_W
    perm = jnp.minimum(li + (base_row - chunk), 15)
    idxg = plsc.load_gather(idxv, [perm])
    wvec = jnp.minimum(li * W + (idxg >> 2), ROWS_PER_W * W - 1)
    bitv = jnp.int32(1) << (8 * (idxg & 3))
    old = plsc.load_gather(bigbuf, [wvec], mask=lanemask)
    plsc.store_scatter(bigbuf, [wvec], old | bitv, mask=lanemask)
    pltpu.sync_copy(
        bigbuf, out_hbm.at[pl.ds(base_row * W, ROWS_PER_W * W)]
    )


_sc_mask = functools.partial(
    pl.kernel,
    out_type=jax.ShapeDtypeStruct((B * W,), jnp.int32),
    mesh=plsc.VectorSubcoreMesh(
        core_axis_name="c", subcore_axis_name="s", num_cores=2, num_subcores=16
    ),
    scratch_types=[
        pltpu.VMEM((16,), jnp.int32),
        pltpu.VMEM((ROWS_PER_W * W,), jnp.int32),
    ],
    compiler_params=pltpu.CompilerParams(needs_layout_passes=False),
)(_sc_mask_body)


def kernel(logits, mask, idxs):
    idxs32 = idxs.astype(jnp.int32)
    out_l = _tc_logits(idxs32.reshape(B, 1), logits, mask)
    maskw = lax.bitcast_convert_type(
        mask.view(jnp.uint8).reshape(B * W, 4), jnp.int32
    )
    outw = _sc_mask(idxs32, maskw)
    out_m = (
        lax.bitcast_convert_type(outw, jnp.uint8).reshape(B, S).view(jnp.bool_)
    )
    return out_l, out_m

# --- scband reference (transcript-rebuilt; emitter-appended) ---
"""Pipeline reference for scband-decoder-67937792688518 (READ-ONLY COPY).

The authoritative reference and input builder live on the scoring server;
editing this copy changes nothing except your own understanding.
"""

import jax, jax.numpy as jnp
import numpy as np

B = 128
S = 32768

def setup_inputs(seed: int = 0) -> dict:
    key = jax.random.key(seed)
    k1, k2, k3 = jax.random.split(key, 3)
    logits = jax.random.normal(k1, (B, S), dtype=jnp.float32)
    mask = jax.random.randint(k2, (B, S), 0, 2).astype(jnp.bool_)
    idxs = jax.random.randint(k3, (B,), 0, S, dtype=jnp.int64) if jax.config.read('jax_enable_x64') else jax.random.randint(k3, (B,), 0, S).astype(jnp.int32)
    return {"logits": logits, "mask": mask, "idxs": idxs}

def reference(logits, mask, idxs):
    # Faithful translation of Decoder.apply_mask_to_logits (idxs is not None branch):
    #   mask_clone = mask.clone(); mask_clone[range(B), idxs] = 1; logits[mask_clone] = -inf
    batch_size = logits.shape[0]
    mask_clone = mask.at[jnp.arange(batch_size), idxs].set(True)
    logits_out = jnp.where(mask_clone, -jnp.inf, logits)
    return (logits_out, mask_clone)

if __name__ == "__main__":
    import jax
    _d = setup_inputs()
    print(jax.jit(kernel)(*tuple(_d.values())))

</pallas_src>

<mosaic_0001>
#map = affine_map<(d0, d1) -> (0)>
module attributes {stable_mosaic.version = 14 : i64} {
  func.func @_sc_mask_body(%arg0: i32, %arg1: i32, %arg2: memref<128xi32, #tpu.memory_space<hbm>>, %arg3: memref<1048576xi32, #tpu.memory_space<hbm>>, %arg4: memref<1048576xi32, #tpu.memory_space<hbm>>, %arg5: memref<16xi32, #tpu.memory_space<vmem>>, %arg6: memref<32768xi32, #tpu.memory_space<vmem>>) attributes {dimension_semantics = [#tpu.dimension_semantics<core_parallel>, #tpu.dimension_semantics<subcore_parallel>], iteration_bounds = array<i64: 2, 16>, scalar_prefetch = 0 : i64, scratch_operands = 2 : i64, tpu.core_type = #tpu.core_type<sc_vector_subcore>, window_params = [{transform_indices = #map}, {transform_indices = #map}, {transform_indices = #map}]} {
    %mul3A = arith.constant 2 : i32
    %mul3A_0 = arith.muli %arg1, %mul3A : i32
    %add3A = arith.addi %mul3A_0, %arg0 : i32
    %mul3A_1 = arith.constant 4 : i32
    %mul3A_2 = arith.muli %add3A, %mul3A_1 : i32
    %jit3A = arith.constant 16 : i32
    %div3A = arith.divsi %mul3A_2, %jit3A : i32
    %sign3A = arith.constant 0 : i32
    %sign3A_3 = arith.cmpi sgt, %mul3A_2, %sign3A : i32
    %sign3A_4 = arith.extui %sign3A_3 : i1 to i32
    %sign3A_5 = arith.constant 0 : i32
    %sign3A_6 = arith.cmpi slt, %mul3A_2, %sign3A_5 : i32
    %sign3A_7 = arith.extui %sign3A_6 : i1 to i32
    %sign3A_8 = arith.subi %sign3A_4, %sign3A_7 : i32
    %sign3A_9 = arith.constant 0 : i32
    %sign3A_10 = arith.cmpi sgt, %jit3A, %sign3A_9 : i32
    %sign3A_11 = arith.extui %sign3A_10 : i1 to i32
    %sign3A_12 = arith.constant 0 : i32
    %sign3A_13 = arith.cmpi slt, %jit3A, %sign3A_12 : i32
    %sign3A_14 = arith.extui %sign3A_13 : i1 to i32
    %sign3A_15 = arith.subi %sign3A_11, %sign3A_14 : i32
    %ne3A = arith.cmpi ne, %sign3A_8, %sign3A_15 : i32
    %rem3A = arith.remsi %mul3A_2, %jit3A : i32
    %ne3A_16 = arith.constant 0 : i32
    %ne3A_17 = arith.cmpi ne, %rem3A, %ne3A_16 : i32
    %and3A = arith.andi %ne3A, %ne3A_17 : i1
    %sub3A = arith.constant 1 : i32
    %sub3A_18 = arith.subi %div3A, %sub3A : i32
    %select_n3A = arith.select %and3A, %sub3A_18, %div3A : i32
    %mul3A_19 = arith.constant 16 : i32
    %mul3A_20 = arith.muli %select_n3A, %mul3A_19 : i32
    "tpu.region"() ({
      %run_scoped3A = tpu.sem_alloc : memref<!tpu.dma_semaphore, #tpu.memory_space<semaphore_mem>>
      %dma_start3A = tpu.memref_slice %arg2[%mul3A_20] : memref<128xi32, #tpu.memory_space<hbm>> -> memref<16xi32, #tpu.memory_space<hbm>>
      %dma_start3A_50 = tpu.memref_slice %arg2[%mul3A_20] : memref<128xi32, #tpu.memory_space<hbm>> -> memref<16xi32, #tpu.memory_space<hbm>>
      tpu.enqueue_dma source(%dma_start3A_50 : memref<16xi32, #tpu.memory_space<hbm>>) target(%arg5 : memref<16xi32, #tpu.memory_space<vmem>>) target_semaphore(%run_scoped3A : memref<!tpu.dma_semaphore, #tpu.memory_space<semaphore_mem>>)
      %dma_wait3A = tpu.memref_slice %arg2[%mul3A_20] : memref<128xi32, #tpu.memory_space<hbm>> -> memref<16xi32, #tpu.memory_space<hbm>>
      %dma_wait3A_51 = tpu.memref_slice %arg2[%mul3A_20] : memref<128xi32, #tpu.memory_space<hbm>> -> memref<16xi32, #tpu.memory_space<hbm>>
      tpu.wait_dma2 semaphore(%run_scoped3A : memref<!tpu.dma_semaphore, #tpu.memory_space<semaphore_mem>>) src(%dma_wait3A_51 : memref<16xi32, #tpu.memory_space<hbm>>) dst(%arg5 : memref<16xi32, #tpu.memory_space<vmem>>)
      tpu.yield
    }) : () -> ()
    %mul3A_21 = arith.constant 8192 : i32
    %mul3A_22 = arith.muli %mul3A_2, %mul3A_21 : i32
    "tpu.region"() ({
      %run_scoped3A = tpu.sem_alloc : memref<!tpu.dma_semaphore, #tpu.memory_space<semaphore_mem>>
      %dma_start3A = tpu.memref_slice %arg3[%mul3A_22] : memref<1048576xi32, #tpu.memory_space<hbm>> -> memref<32768xi32, #tpu.memory_space<hbm>>
      %dma_start3A_50 = tpu.memref_slice %arg3[%mul3A_22] : memref<1048576xi32, #tpu.memory_space<hbm>> -> memref<32768xi32, #tpu.memory_space<hbm>>
      tpu.enqueue_dma source(%dma_start3A_50 : memref<32768xi32, #tpu.memory_space<hbm>>) target(%arg6 : memref<32768xi32, #tpu.memory_space<vmem>>) target_semaphore(%run_scoped3A : memref<!tpu.dma_semaphore, #tpu.memory_space<semaphore_mem>>)
      %dma_wait3A = tpu.memref_slice %arg3[%mul3A_22] : memref<1048576xi32, #tpu.memory_space<hbm>> -> memref<32768xi32, #tpu.memory_space<hbm>>
      %dma_wait3A_51 = tpu.memref_slice %arg3[%mul3A_22] : memref<1048576xi32, #tpu.memory_space<hbm>> -> memref<32768xi32, #tpu.memory_space<hbm>>
      tpu.wait_dma2 semaphore(%run_scoped3A : memref<!tpu.dma_semaphore, #tpu.memory_space<semaphore_mem>>) src(%dma_wait3A_51 : memref<32768xi32, #tpu.memory_space<hbm>>) dst(%arg6 : memref<32768xi32, #tpu.memory_space<vmem>>)
      tpu.yield
    }) : () -> ()
    %iota3A = tpu.iota {dimensions = array<i32: 0>} : vector<16xi32>
    %lt3A = arith.constant 4 : i32
    %lt3A_23 = vector.broadcast %lt3A : i32 to vector<16xi32>
    %lt3A_24 = arith.cmpi slt, %iota3A, %lt3A_23 : vector<16xi32>
    %sub3A_25 = arith.subi %mul3A_2, %mul3A_20 : i32
    %add3A_26 = vector.broadcast %sub3A_25 : i32 to vector<16xi32>
    %add3A_27 = arith.addi %iota3A, %add3A_26 : vector<16xi32>
    %min3A = arith.constant 15 : i32
    %min3A_28 = vector.broadcast %min3A : i32 to vector<16xi32>
    %min3A_29 = arith.minsi %add3A_27, %min3A_28 : vector<16xi32>
    %gather3A = tpu.vector_load_idx %arg5[%min3A_29] : memref<16xi32, #tpu.memory_space<vmem>>[vector<16xi32>], vector<16xi32>,
    %mul3A_30 = arith.constant 8192 : i32
    %mul3A_31 = vector.broadcast %mul3A_30 : i32 to vector<16xi32>
    %mul3A_32 = arith.muli %iota3A, %mul3A_31 : vector<16xi32>
    %shift_right_arithmetic3A = arith.constant 2 : i32
    %shift_right_arithmetic3A_33 = vector.broadcast %shift_right_arithmetic3A : i32 to vector<16xi32>
    %shift_right_arithmetic3A_34 = arith.shrsi %gather3A, %shift_right_arithmetic3A_33 : vector<16xi32>
    %add3A_35 = arith.addi %mul3A_32, %shift_right_arithmetic3A_34 : vector<16xi32>
    %min3A_36 = arith.constant 32767 : i32
    %min3A_37 = vector.broadcast %min3A_36 : i32 to vector<16xi32>
    %min3A_38 = arith.minsi %add3A_35, %min3A_37 : vector<16xi32>
    %and3A_39 = arith.constant 3 : i32
    %and3A_40 = vector.broadcast %and3A_39 : i32 to vector<16xi32>
    %and3A_41 = arith.andi %gather3A, %and3A_40 : vector<16xi32>
    %mul3A_42 = arith.constant 8 : i32
    %mul3A_43 = vector.broadcast %mul3A_42 : i32 to vector<16xi32>
    %mul3A_44 = arith.muli %mul3A_43, %and3A_41 : vector<16xi32>
    %shift_left3A = arith.constant 1 : i32
    %shift_left3A_45 = vector.broadcast %shift_left3A : i32 to vector<16xi32>
    %shift_left3A_46 = arith.shli %shift_left3A_45, %mul3A_44 : vector<16xi32>
    %gather3A_47 = tpu.vector_load_idx %arg6[%min3A_38] masked %lt3A_24 : memref<32768xi32, #tpu.memory_space<vmem>>[vector<16xi32>], vector<16xi32>, vector<16xi1>
    %or3A = arith.ori %gather3A_47, %shift_left3A_46 : vector<16xi32>
    tpu.vector_store_idx %arg6[%min3A_38], %or3A masked %lt3A_24 : memref<32768xi32, #tpu.memory_space<vmem>>[vector<16xi32>], vector<16xi32>, vector<16xi1>
    %mul3A_48 = arith.constant 8192 : i32
    %mul3A_49 = arith.muli %mul3A_2, %mul3A_48 : i32
    "tpu.region"() ({
      %run_scoped3A = tpu.sem_alloc : memref<!tpu.dma_semaphore, #tpu.memory_space<semaphore_mem>>
      %dma_start3A = tpu.memref_slice %arg4[%mul3A_49] : memref<1048576xi32, #tpu.memory_space<hbm>> -> memref<32768xi32, #tpu.memory_space<hbm>>
      %dma_start3A_50 = tpu.memref_slice %arg4[%mul3A_49] : memref<1048576xi32, #tpu.memory_space<hbm>> -> memref<32768xi32, #tpu.memory_space<hbm>>
      tpu.enqueue_dma source(%arg6 : memref<32768xi32, #tpu.memory_space<vmem>>) target(%dma_start3A_50 : memref<32768xi32, #tpu.memory_space<hbm>>) target_semaphore(%run_scoped3A : memref<!tpu.dma_semaphore, #tpu.memory_space<semaphore_mem>>)
      %dma_wait3A = tpu.memref_slice %arg4[%mul3A_49] : memref<1048576xi32, #tpu.memory_space<hbm>> -> memref<32768xi32, #tpu.memory_space<hbm>>
      %dma_wait3A_51 = tpu.memref_slice %arg4[%mul3A_49] : memref<1048576xi32, #tpu.memory_space<hbm>> -> memref<32768xi32, #tpu.memory_space<hbm>>
      tpu.wait_dma2 semaphore(%run_scoped3A : memref<!tpu.dma_semaphore, #tpu.memory_space<semaphore_mem>>) src(%arg6 : memref<32768xi32, #tpu.memory_space<vmem>>) dst(%dma_wait3A_51 : memref<32768xi32, #tpu.memory_space<hbm>>)
      tpu.yield
    }) : () -> ()
    return
  }
}

module attributes {stable_mosaic.version = 14 : i64} {
  func.func @_tc_body(%arg0: i32, %arg1: memref<128x1xi32, #tpu.memory_space<vmem>>, %arg2: memref<128x4096xf32, #tpu.memory_space<vmem>>, %arg3: memref<128x4096xi32, #tpu.memory_space<vmem>>, %arg4: memref<128x4096xf32, #tpu.memory_space<vmem>>) attributes {dimension_semantics = [#tpu.dimension_semantics<arbitrary>], iteration_bounds = array<i64: 8>, scalar_prefetch = 0 : i64, scratch_operands = 0 : i64, tpu.core_type = #tpu.core_type<tc>, window_params = [{pipeline_mode = #tpu.pipeline_mode<synchronous>, transform_indices = @transform_0, window_bounds = array<i64: 128, 1>}, {transform_indices = @transform_1, window_bounds = array<i64: 128, 4096>}, {transform_indices = @transform_2, window_bounds = array<i64: 128, 4096>}, {transform_indices = @transform_3, window_bounds = array<i64: 128, 4096>}]} {
    %iota3A = tpu.iota {dimensions = array<i32: 1>} : vector<128x4096xi32>
    %mul3A = arith.constant 4096 : i32
    %mul3A_0 = arith.muli %arg0, %mul3A : i32
    %add3A = vector.broadcast %mul3A_0 : i32 to vector<128x4096xi32>
    %add3A_1 = arith.addi %iota3A, %add3A : vector<128x4096xi32>
    %get3A = arith.constant 0 : index
    %get3A_2 = arith.constant 0 : index
    %get3A_3 = vector.load %arg1[%get3A, %get3A_2] : memref<128x1xi32, #tpu.memory_space<vmem>>, vector<128x1xi32>
    %eq3A = vector.broadcast %get3A_3 : vector<128x1xi32> to vector<128x4096xi32>
    %eq3A_4 = arith.cmpi eq, %add3A_1, %eq3A : vector<128x4096xi32>
    %get3A_5 = arith.constant 0 : index
    %get3A_6 = arith.constant 0 : index
    %get3A_7 = vector.load %arg3[%get3A_5, %get3A_6] : memref<128x4096xi32, #tpu.memory_space<vmem>>, vector<128x4096xi32>
    %get3A_8 = arith.constant dense<0> : vector<128x4096xi32>
    %get3A_9 = arith.cmpi ne, %get3A_7, %get3A_8 : vector<128x4096xi32>
    %or3A = arith.ori %get3A_9, %eq3A_4 : vector<128x4096xi1>
    %get3A_10 = arith.constant 0 : index
    %get3A_11 = arith.constant 0 : index
    %get3A_12 = vector.load %arg2[%get3A_10, %get3A_11] : memref<128x4096xf32, #tpu.memory_space<vmem>>, vector<128x4096xf32>
    %jit3A = arith.constant 0xFF800000 : f32
    %broadcast_in_dim3A = vector.broadcast %jit3A : f32 to vector<128x4096xf32>
    %select_n3A = arith.select %or3A, %broadcast_in_dim3A, %get3A_12 : vector<128x4096xi1>, vector<128x4096xf32>
    %swap3A = arith.constant 0 : index
    %swap3A_13 = arith.constant 0 : index
    %swap3A_14 = vector.load %arg4[%swap3A, %swap3A_13] : memref<128x4096xf32, #tpu.memory_space<vmem>>, vector<128x4096xf32>
    tpu.vector_store %arg4[%swap3A, %swap3A_13], %select_n3A {strides = array<i32>} : memref<128x4096xf32, #tpu.memory_space<vmem>>, vector<128x4096xf32>,
    return
  }
  func.func @transform_0(%arg0: i32) -> (i32, i32) {
    %c0_i32 = arith.constant 0 : i32
    %c0_i32_0 = arith.constant 0 : i32
    %c0_i32_1 = arith.constant 0 : i32
    return %c0_i32, %c0_i32_0 : i32, i32
  }
  func.func @transform_1(%arg0: i32) -> (i32, i32) {
    %c0_i32 = arith.constant 0 : i32
    %c0_i32_0 = arith.constant 0 : i32
    return %c0_i32, %arg0 : i32, i32
  }
  func.func @transform_2(%arg0: i32) -> (i32, i32) {
    %c0_i32 = arith.constant 0 : i32
    %c0_i32_0 = arith.constant 0 : i32
    return %c0_i32, %arg0 : i32, i32
  }
  func.func @transform_3(%arg0: i32) -> (i32, i32) {
    %c0_i32 = arith.constant 0 : i32
    %c0_i32_0 = arith.constant 0 : i32
    return %c0_i32, %arg0 : i32, i32
  }
}

</mosaic_0001>

<sc_bundles>
// kernel: kernel.4.cloned.1.call-start
scs
__scs_entry_jumppad:
0x0: {  	(pc) =	sbr.rel $0x88, $3  }
0x1: {  	(tag) =	ssettag $0x0;
	lr =	simm.s32 $0x1  }
0x2: {  	[smem:$0x3F9E] =	sst lr;
	_ =	strace $0xD0000000  }
0x3: {  	_ = 	snop  }
0x4: {  	_ = 	snop  }
0x5: {  	_ = 	snop  }
0x6: {  	_ = 	snop  }
0x7: {  	_ = 	snop  }
__scs_overlays_trampoline_lowered:
0x8: {  	[smem:$0x3FAD] =	sst s0  }
0x9: {  	[smem:$0x3FAE] =	sst s1  }
0xa: {  	[smem:$0x3FAF] =	sst s2  }
0xb: {  	[smem:$0x3FB0] =	sst s3  }
0xc: {  	[smem:$0x3FB1] =	sst s4  }
0xd: {  	[smem:$0x3FB2] =	sst s5  }
0xe: {  	[smem:$0x3FB3] =	sst s6  }
0xf: {  	[smem:$0x3FB4] =	sst s7  }
0x10: {  	[smem:$0x3FB5] =	sst s8  }
0x11: {  	[smem:$0x3FB6] =	sst s9;
	s0 =	simm.s32 @!p0 $0x0  }
0x12: {  	s1 =	sld [smem:$0x3F9C];
	s0 =	simm.s32 @p0 $0x1  }
0x13: {  	[smem:$0x3FB7] =	sst s0;
	s0 =	simm.s32 @!p1 $0x0  }
0x14: {  	s2 =	sld [smem:$0x3F9B];
	s0 =	simm.s32 @p1 $0x1  }
0x15: {  	[smem:$0x3FB8] =	sst s0;
	s0 =	simm.s32 @!p2 $0x0  }
0x16: {  	s3 =	sld [smem:$0x3FDB];
	s0 =	simm.s32 @p2 $0x1  }
0x17: {  	s4 =	simm.s32 $0x1BF5;
	[smem:$0x3FBA] =	sst s0  }
0x18: {  	s0 =	sld [smem:$0x3F9D];
	_ =	swait.ge [sflag:s4], $0x0  }
0x19: {  	s7 =	sld [smem:$0x3F9E]  }
0x1a: {  	s8 =	sadd.s32 $0xFFFFE003, lr  }
0x1b: {  	s9 =	sadd.s32 $0xFFFFFEF7, lr;
	s5 =	simm.s32 $0xFFFFFFFF;
	p2 =	slt.u32 s8, $0xFFFFF086  }
0x1c: {  	p1 =	slt.u32 s9, $0xF7A;
	s5 =	simm.s32 @!p2 $0x0  }
0x1d: {  	s5 =	simm.s32 @p1 $0x1;
	p0 =	seq.s32 s7, s2  }
0x1e: {  	s7 =	smul.u32 @!p0 $0xF7A, s2;
	p2 =	seq.s32 @!p0 s5, $0x0  }
0x1f: {  	s9 =	smul.u32 $0xF7A, s1;
	s8 =	simm.s32 @!p0 $0x1BF5;
	p2 =	por !p2, p0  }
0x20: {  	[sflag:s8] =	ssyncset.s32 @!p0 $0xFFFFF086;
	s6 =	sadd.s32 @!p0 s3, s7;
	s7 =	simm.s32 @!p0 $0x108  }
0x21: {  	s3 =	sadd.s32 s3, s9;
	s6 =	sadd.s32 @!p0 $0x88, s6;
	s7 =	simm.s32 @p2 $0x1082  }
0x22: {  	[simem:s7], [sflag:s8] =	dma.local @!p0 [hbm:s6], $0xF7A  }
0x23: {  	s9 =	sor.u32 $0xD0000000, s2;
	s6 =	simm.s32 $0x108;
	_ =	swait.ge @!p0 [sflag:s8], $0x0  }
0x24: {  	s3 =	sadd.s32 $0x88, s3;
	s6 =	simm.s32 @!p1 $0x1082;
	[sflag:s4] =	ssyncset.s32 $0xFFFFF086  }
0x25: {  	[simem:s6], [sflag:s4] =	dma.local [hbm:s3], $0xF7A  }
0x26: {  	[smem:$0x3F9E] =	sst s1;
	(tag) =	ssettag s2;
	_ =	strace s9  }
0x27: {  	s1 =	sld [smem:$0x3FAE]  }
0x28: {  	s2 =	sld [smem:$0x3FAF]  }
0x29: {  	s4 =	sld [smem:$0x3FB1]  }
0x2a: {  	p0 =	seq.s32 s5, $0x0;
	s5 =	sld [smem:$0x3FB2]  }
0x2b: {  	s6 =	sld [smem:$0x3FB3]  }
0x2c: {  	s7 =	sld [smem:$0x3FB4]  }
0x2d: {  	s3 =	simm.s32 $0x108;
	s8 =	sld [smem:$0x3FB5]  }
0x2e: {  	s3 =	simm.s32 @!p0 $0x1082;
	s9 =	sld [smem:$0x3FB6]  }
0x2f: {  	lr =	sadd.s32 s0, s3;
	s0 =	sld [smem:$0x3FAD]  }
0x30: {  	s3 =	sld [smem:$0x3FB0]  }
0x31: {  	[smem:$0x3FB9] =	sst s10  }
0x32: {  	s10 =	sld [smem:$0x3FB7];
	_ =	sdelay $0x3  }
0x33: {  	p0 =	seq.s32 s10, $0x1;
	s10 =	sld [smem:$0x3FB9];
	_ =	sdelay $0x3  }
0x34: {  	[smem:$0x3FB9] =	sst s10  }
0x35: {  	s10 =	sld [smem:$0x3FB8];
	_ =	sdelay $0x3  }
0x36: {  	p1 =	seq.s32 s10, $0x1;
	s10 =	sld [smem:$0x3FB9];
	_ =	sdelay $0x3  }
0x37: {  	[smem:$0x3FB9] =	sst s10  }
0x38: {  	s10 =	sld [smem:$0x3FBA]  }
0x39: {  	_ = 	snop;
	(pc) =	sbr.ind lr, $3  }
0x3a: {  	_ = 	snop  }
0x3b: {  	_ = 	snop  }
0x3c: {  	p2 =	seq.s32 s10, $0x1;
	s10 =	sld [smem:$0x3FB9]  }
0x3d: {  	_ =	shalt  }
0x3e: {  	_ =	shalt  }
0x3f: {  	_ =	shalt  }
0x40: {  	_ =	shalt  }
0x41: {  	_ =	shalt  }
0x42: {  	_ =	shalt  }
0x43: {  	_ =	shalt  }
0x44: {  	_ =	shalt  }
0x45: {  	_ =	shalt  }
0x46: {  	_ =	shalt  }
0x47: {  	_ =	shalt  }
0x48: {  	_ =	shalt  }
0x49: {  	_ =	shalt  }
0x4a: {  	_ =	shalt  }
0x4b: {  	_ =	shalt  }
0x4c: {  	_ =	shalt  }
0x4d: {  	_ =	shalt  }
0x4e: {  	_ =	shalt  }
0x4f: {  	_ =	shalt  }
0x50: {  	_ =	shalt  }
0x51: {  	_ =	shalt  }
0x52: {  	_ =	shalt  }
0x53: {  	_ =	shalt  }
0x54: {  	_ =	shalt  }
0x55: {  	_ =	shalt  }
0x56: {  	_ =	shalt  }
0x57: {  	_ =	shalt  }
0x58: {  	_ =	shalt  }
0x59: {  	_ =	shalt  }
0x5a: {  	_ =	shalt  }
0x5b: {  	_ =	shalt  }
0x5c: {  	_ =	shalt  }
0x5d: {  	_ =	shalt  }
0x5e: {  	_ =	shalt  }
0x5f: {  	_ =	shalt  }
0x60: {  	_ =	shalt  }
0x61: {  	_ =	shalt  }
0x62: {  	_ =	shalt  }
0x63: {  	_ =	shalt  }
0x64: {  	_ =	shalt  }
0x65: {  	_ =	shalt  }
0x66: {  	_ =	shalt  }
0x67: {  	_ =	shalt  }
0x68: {  	_ =	shalt  }
0x69: {  	_ =	shalt  }
0x6a: {  	_ =	shalt  }
0x6b: {  	_ =	shalt  }
0x6c: {  	_ =	shalt  }
0x6d: {  	_ =	shalt  }
0x6e: {  	_ =	shalt  }
0x6f: {  	_ =	shalt  }
0x70: {  	_ =	shalt  }
0x71: {  	_ =	shalt  }
0x72: {  	_ =	shalt  }
0x73: {  	_ =	shalt  }
0x74: {  	_ =	shalt  }
0x75: {  	_ =	shalt  }
0x76: {  	_ =	shalt  }
0x77: {  	_ =	shalt  }
0x78: {  	_ =	shalt  }
0x79: {  	_ =	shalt  }
0x7a: {  	_ =	shalt  }
0x7b: {  	_ =	shalt  }
0x7c: {  	_ =	shalt  }
0x7d: {  	_ =	shalt  }
0x7e: {  	_ =	shalt  }
0x7f: {  	_ =	shalt  }
0x80: {  	_ =	shalt  }
0x81: {  	_ =	shalt  }
0x82: {  	_ =	shalt  }
0x83: {  	_ =	shalt  }
0x84: {  	_ =	shalt  }
0x85: {  	_ =	shalt  }
0x86: {  	_ =	shalt  }
0x87: {  	_ =	shalt  }
.Lfunc_end0:
.L_simem_size_0:
called_computation_lowered:
.L_overlay_start_0:
0x88: {  	s2 =	sld [smem:$0x3FD9]  }
0x89: {  	s3 =	sld [smem:$0x3FFE];
	_ =	sdelay $0x1  }
0x8a: {  	s1 =	srdreg.scid  }
0x8b: {  	s0 =	sand.u32 $0x1, s1  }
0x8c: {  	s14 =	sshll.u32 s0, $0xA;
	s2 =	sadd.s32 s3, s2  }
0x8d: {  	s2 =	sadd.s32 s2, s14  }
0x8e: {  	[smem:$0x3FC5] =	sst s2  }
0x8f: {  	_ = 	snop  }
0x90: {  	s2 =	sld [smem:$0x3FD0];
	_ =	sdelay $0x2  }
0x91: {  	s4 =	simm.s32 $0xA;
	s5 =	simm.s32 $0x10;
	s15 =	sld [smem:$0x3FC7]  }
0x92: {  	[smem:s5], [sflag:s4] =	dma.local [hbm:s2], $0x1  }
0x93: {  	_ =	swait.eq [sflag:s4], $0x1  }
0x94: {  	[sflag:s4] =	ssyncset.done $0x0  }
0x95: {  	[sflag:s4] =	ssyncadd.s32 $0xFFFFFFFF  }
0x96: {  	s16 =	sld [smem:$0x11];
	(tm) =	ssettm $0x1  }
0x97: {  	s17 =	sld [smem:$0x3FFB];
	_ =	sdelay $0x3  }
0x98: {  	_ =	strace s17  }
0x99: {  	s4 =	sld [smem:$0x3FFC];
	_ =	sdelay $0x3  }
0x9a: {  	_ =	strace s4  }
0x9b: {  	s4 =	sld [smem:$0x3FFD];
	_ =	sdelay $0x3  }
0x9c: {  	_ =	strace s4  }
0x9d: {  	_ =	strace $0x8FFFFFFF  }
0x9e: {  	s18 =	sld [smem:$0x3FDB];
	_ =	sdelay $0x1  }
0x9f: {  	s19 =	simm.s32 $_scs_section_size  }
0xa0: {  	s6 =	simm.s32 $_size__tile_overlayer_lowered;
	s7 =	simm.s32 $_tile_overlayer_lowered  }
0xa1: {  	s22 =	simm.s32 $0x1BFF;
	s21 =	sshll.u32 s7, $0x1;
	s4 =	sadd.s32 s19, s18  }
0xa2: {  	s8 =	simm.s32 $0x0;
	s20 =	sshll.u32 s6, $0x1;
	s6 =	sadd.s32 s21, s4  }
0xa3: {  	[timem:s8], [sflag:s22] =	dma.local [hbm:s6], s20  }
0xa4: {  	_ =	swait.ge [sflag:s22], s20  }
0xa5: {  	s5 =	ssub.s32 $0x0, s20;
	[sflag:s22] =	ssyncset.done $0x0  }
0xa6: {  	[sflag:s22] =	ssyncadd.s32 s5;
	_ =	sdelay $0x1  }
0xa7: {  	s23 =	simm.s32 $0x1B8B  }
0xa8: {  	_ =	swait.ge [sflag:s23], $0x1  }
0xa9: {  	[sflag:s23] =	ssyncset.done $0x0  }
0xaa: {  	s25 =	simm.s32 $0x1B8E;
	s24 =	sld [smem:$0x3FFE];
	[sflag:s23] =	ssyncadd.s32 $0xFFFFFFFF  }
0xab: {  	s26 =	simm.s32 $execute0_lowered;
	[smem:$0x3FD2] =	sst s25  }
0xac: {  	s6 =	sshll.u32 s26, $0x1;
	_ =	strace $0x80000046;
	[dreg:$0x1] =	wrdreg $0xFFFFFFFF  }
0xad: {  	s28 =	simm.s32 $_size_execute0_lowered;
	s4 =	sadd.s32 s4, s6;
	[dreg:$0x0] =	wrdreg $0x0  }
0xae: {  	s6 =	sshll.u32 s28, $0x1;
	[dreg:$0x2] =	wrdreg s4  }
0xaf: {  	[dreg:$0x3] =	wrdreg s6  }
0xb0: {  	[dreg:$0x4] =	wrdreg $0xC0  }
0xb1: {  	_ =	task [dreg:s8], $0x5FFFF  }
0xb2: {  	[dreg:$0x1] =	wrdreg $0xFFFFFFFF  }
0xb3: {  	[dreg:$0x0] =	wrdreg $0x60  }
0xb4: {  	[dreg:$0x2] =	wrdreg s15  }
0xb5: {  	[dreg:$0x3] =	wrdreg s16  }
0xb6: {  	[dreg:$0x4] =	wrdreg s24  }
0xb7: {  	[dreg:$0x5] =	wrdreg $0x9  }
0xb8: {  	_ =	task.clear_ibuf [dreg:s8], $0x6FFFF;
	_ =	strace $0x90000046  }
0xb9: {  	s29 =	simm.s32 $0x9;
	_ =	strace $0x80000048  }
0xba: {  	_ =	swait.ge [sflag:s29], $0x1  }
0xbb: {  	[sflag:s29] =	ssyncadd.s32 $0xFFFFFFFF  }
0xbc: {  	_ =	strace $0x90000048  }
0xbd: {  	_ =	sfence  }
0xbe: {  	s30 =	sld [smem:$0x0];
	_ =	sdelay $0x2  }
0xbf: {  	s31 =	sshll.u32 s1, $0xD;
	s1 =	sshrl.u32 s1, $0x2  }
0xc0: {  	s3 =	sand.u32 $0x4000, s31;
	s1 =	sadd.s32 s1, s30  }
0xc1: {  	s0 =	sor.u32 s3, s0;
	s1 =	sshll.u32 s1, $0x11  }
0xc2: {  	s0 =	sor.u32 s1, s0  }
0xc3: {  	s0 =	sadd.s32 $0x8F2B, s0  }
0xc4: {  	[sflag:s0] =	ssyncadd.remote.s32 $0x1  }
0xc5: {  	_ =	sfence.sel $0xFFFF  }
0xc6: {  	[dreg:$0x0] =	wrdreg $0xFFFFFFFF;
	(pc) =	sbr.abs _section_cstart, $3  }
0xc7: {  	[dreg:$0x1] =	wrdreg $0xFFFFFFFF  }
0xc8: {  	_ =	task.clear_ibuf [dreg:s8], $0x2FFFF;
	_ =	strace $0x9FFFFFFF  }
0xc9: {  	(tm) =	ssettm $0x7FFFFFFF  }
tec
execute0_lowered:
.L_overlay_start_1:
0x0: {  	(tag) =	ssettag $0x1  }
0x1: {  	s3 =	rddreg [dreg:$0x0]  }
0x2: {  	s5 =	rddreg [dreg:$0x1]  }
0x3: {  	s7 =	rddreg [dreg:$0x2]  }
0x4: {  	s0 =	rddreg [dreg:$0x3]  }
0x5: {  	s2 =	simm.s32 $0x0;
	s4 =	srdreg.scid;
	s1 =	stileid.u32  }
0x6: {  	[smem:$0x7FF] =	sst s2;
	s8 =	sand.u32 $0x1, s4;
	s29 =	sshll.u32 s1, $0x1  }
0x7: {  	s30 =	sand.u32 $0xE, s1;
	_ =	strace $0x80000047;
	s6 =	sor.u32 s8, s29  }
0x8: {  	s4 =	sadd.s32 s3, s30;
	s3 =	simm.s32 $0x1;
	s9 =	sshll.u32 s6, $0x2  }
0x9: {  	[tilespmem:s2], [sflag:$0x1] =	stream.linear.gather [hbm4b:s4+s2], $0x10, $0x38;
	[tilespmem:$0x8080] =	vst v63  }
0xa: {  	v1 =	vlaneseq.u32;
	s9 =	sand.u32 $0xC, s9;
	_ =	swait.ge [sflag:s3], $0x10  }
0xb: {  	s10 =	sshll.u32 s6, $0xC;
	v0 =	vadd.s32 s9, v1;
	[sflag:s3] =	ssyncset.done $0x0  }
0xc: {  	s6 =	simm.s32 $0x80;
	s5 =	sadd.s32 s5, s10;
	v0 =	vmin.u32 v0, $0xF;
	[sflag:s3] =	ssyncadd.s32 $0xFFFFFFF0  }
0xd: {  	[tilespmem:s6], [sflag:$0x1] =	stream.linear.gather [hbm4b:s5+s2], $0x8000, $0x38;
	[tilespmem:$0x8080] =	vst v63  }
0xe: {  	_ =	swait.ge [sflag:s3], $0x8000  }
0xf: {  	[sflag:s3] =	ssyncset.done $0x0  }
0x10: {  	[sflag:s3] =	ssyncadd.s32 $0xFFFF8000  }
0x11: {  	v2 =	vld.idx.msk [tilespmem:v0+s2+$0x0], $0xffff;
	_ =	sdelay $0x3  }
0x12: {  	v1 =	vmul.u32 $0x2000, v1  }
0x13: {  	v3 =	vshra.s32 v2, $0x2  }
0x14: {  	v3 =	vadd.s32 v1, v3  }
0x15: {  	vm0 =	vlt.s32 v3, $0x7FFF  }
0x16: {  	v3 =	vnsel vm0, $0x7FFF, v3;
	_ =	sdelay $0x4  }
0x17: {  	s8 =	ssub.s32 $0x2, s8;
	v4 =	vld.idx.msk [tilespmem:v3+s6+$0x0], $0xf  }
0x18: {  	s31 =	sshrl.u32 s8, $0x1  }
0x19: {  	s8 =	ssub.s32 s8, s31;
	v5 =	vshll.u32 v2, $0x3  }
0x1a: {  	s8 =	smax.u32 s8, $0x1;
	v2 =	vimm.s32 $0x1;
	v5 =	vand.u32 $0x18, v5  }
0x1b: {  	p0 =	sne.s32 s8, $0x1;
	v5 =	vshll.u32 v2, v5  }
.Ltmp0:
0x1c: {  	s7 =	sadd.s32 s10, s7;
	v4 =	vor.u32 v4, v5;
	(pc) =	sbr.rel @!p0 .LBB2_2-.Ltmp0, $4  }
0x1d: {  	s7 =	sadd.s32 $0x81400, s7;
	[tilespmem:v3+s6+$0x0] =	vst.idx.msk $0xf, v4  }
0x1e: {  	[hbm4b:s7+s2] =	stream.linear.scatter [tilespmem:s6], [sflag:$0x1], $0x8000, $0x38;
	[tilespmem:$0x8080] =	vst v63  }
0x1f: {  	_ =	swait.ge [sflag:s3], $0x8000  }
0x20: {  	s8 =	sadd.s32 $0xFFFFFFFF, s8;
	[sflag:s3] =	ssyncset.done $0x0  }
.LBB2_1:
0x21: {  	p0 =	sne.s32 s8, $0x1;
	s8 =	sadd.s32 $0xFFFFFFFF, s8;
	[sflag:s3] =	ssyncadd.s32 $0xFFFF8000  }
0x22: {  	[tilespmem:s2], [sflag:$0x1] =	stream.linear.gather [hbm4b:s4+s2], $0x10, $0x38;
	[tilespmem:$0x8080] =	vst v63  }
0x23: {  	_ =	swait.ge [sflag:s3], $0x10  }
0x24: {  	[sflag:s3] =	ssyncset.done $0x0  }
0x25: {  	[sflag:s3] =	ssyncadd.s32 $0xFFFFFFF0  }
0x26: {  	[tilespmem:s6], [sflag:$0x1] =	stream.linear.gather [hbm4b:s5+s2], $0x8000, $0x38;
	[tilespmem:$0x8080] =	vst v63  }
0x27: {  	_ =	swait.ge [sflag:s3], $0x8000  }
0x28: {  	[sflag:s3] =	ssyncset.done $0x0  }
0x29: {  	[sflag:s3] =	ssyncadd.s32 $0xFFFF8000  }
0x2a: {  	v3 =	vld.idx.msk [tilespmem:v0+s2+$0x0], $0xffff;
	_ =	sdelay $0x5  }
0x2b: {  	v4 =	vshra.s32 v3, $0x2;
	v3 =	vshll.u32 v3, $0x3  }
0x2c: {  	v4 =	vadd.s32 v1, v4;
	v3 =	vand.u32 $0x18, v3  }
0x2d: {  	vm0 =	vlt.s32 v4, $0x7FFF  }
0x2e: {  	v4 =	vnsel vm0, $0x7FFF, v4;
	_ =	sdelay $0x4  }
0x2f: {  	v5 =	vld.idx.msk [tilespmem:v4+s6+$0x0], $0xf;
	_ =	sdelay $0x4  }
0x30: {  	v3 =	vshll.u32 v2, v3  }
.Ltmp1:
0x31: {  	v3 =	vor.u32 v5, v3;
	(pc) =	sbr.rel @p0 .LBB2_1-.Ltmp1, $4  }
0x32: {  	[tilespmem:v4+s6+$0x0] =	vst.idx.msk $0xf, v3  }
0x33: {  	[hbm4b:s7+s2] =	stream.linear.scatter [tilespmem:s6], [sflag:$0x1], $0x8000, $0x38;
	[tilespmem:$0x8080] =	vst v63  }
0x34: {  	_ =	swait.ge [sflag:s3], $0x8000  }
0x35: {  	[sflag:s3] =	ssyncset.done $0x0  }
.LBB2_2:
0x36: {  	[sflag:s3] =	ssyncadd.s32 $0xFFFF8000  }
0x37: {  	_ =	sfence.sel $0x180000  }
0x38: {  	[bflag:$0x0] =	sbarrier.arrive $0xFFFF  }
0x39: {  	p0 =	sne.s32 s1, $0x0;
	_ =	strace $0x90000047  }
0x3a: {  	s0 =	sadd.s32 @!p0 $0x100000, s0;
	[bflag:$0x2] =	sbarrier.arrive $0xFFFF  }
0x3b: {  	[sflag:s0] =	ssyncadd.tile.s32 @!p0 $0x1;
	_ =	shalt  }
.Lfunc_end2:
_tile_overlayer_lowered:
.L_overlay_start_2:
0x3c: {  	(tag) =	ssettag $0x2  }
0x3d: {  	s0 =	rddreg [dreg:$0x0];
	s2 =	stileid.u32  }
0x3e: {  	s1 =	rddreg [dreg:$0x1];
	p0 =	sne.s32 s2, $0x0  }
0x3f: {  	s3 =	rddreg [dreg:$0x2];
	[bflag:$0x3] =	sbarrier.arrive $0xFFFF;
	s2 =	simm.s32 @!p0 $0x1C01  }
0x40: {  	[timem:s3], [sflag:s2] =	dma.local @!p0 [hbm:s0], s1  }
0x41: {  	s0 =	simm.s32 @!p0 $0x1  }
0x42: {  	_ =	swait.ge @!p0 [sflag:s0], s1  }
0x43: {  	s1 =	ssub.s32 @!p0 $0x0, s1;
	[sflag:s0] =	ssyncset.done @!p0 $0x0  }
0x44: {  	[sflag:s0] =	ssyncadd.s32 @!p0 s1  }
0x45: {  	[bflag:$0x3] =	sbarrier.arrive $0xFFFF  }
0x46: {  	_ =	shalt  }

</sc_bundles>
